<compile_context>
chip_gen: v7x
topology: tpu7x:2x2x1
jax: 0.10.2.dev20260603
libtpu: 0.0.44.dev20260713+nightly
codegen_flags: <defaults>
</compile_context>

<pallas_src>
import functools

import jax
import jax.numpy as jnp
from jax import lax
from jax.experimental import pallas as pl
from jax.experimental.pallas import tpu as pltpu
from jax.experimental.pallas import tpu_sc as plsc

_IMAGE_WIDTH = 640
_IMAGE_HEIGHT = 480
_MAX_PIXEL = _IMAGE_WIDTH * _IMAGE_HEIGHT - 1
_NSAMP = 256
_NCORES = 2
_NSUB = 16


def _sc_gather_offsets(neg_table, indices):
    mesh = plsc.VectorSubcoreMesh(
        core_axis_name="c", subcore_axis_name="s",
        num_cores=_NCORES, num_subcores=_NSUB)

    @functools.partial(
        pl.kernel,
        out_type=jax.ShapeDtypeStruct((_NSAMP,), jnp.int32),
        mesh=mesh,
        scratch_types=[
            pltpu.VMEM((2, _NSAMP // 2), jnp.int32),
            pltpu.VMEM((_NSAMP,), jnp.int32),
            pltpu.SemaphoreType.DMA,
        ],
    )
    def k(neg_hbm, idx_hbm, out_hbm, idx_v, off_v, sem):
        wid = lax.axis_index("s") * _NCORES + lax.axis_index("c")

        @pl.when(wid == 0)
        def _():
            half = _NSAMP // 2
            pltpu.async_copy(idx_hbm, idx_v, sem).wait()
            pltpu.async_copy(neg_hbm.at[idx_v.at[0]], off_v.at[pl.ds(0, half)],
                             sem).wait()
            pltpu.async_copy(neg_hbm.at[idx_v.at[1]], off_v.at[pl.ds(half, half)],
                             sem).wait()
            pltpu.async_copy(off_v, out_hbm, sem).wait()

    return k(neg_table, indices)


def _tc_dense(matches, offsets):
    n = matches.shape[0]
    block_rows = 8192
    n_blocks = -(-n // block_rows)
    matches = jnp.pad(matches, (0, n_blocks * block_rows - n))

    def body(m_ref, off_ref, out_ref):
        m = m_ref[...]
        off = off_ref[...]
        out_ref[...] = jnp.minimum(
            jnp.maximum(m[:, None] + off[None, :], 0), _MAX_PIXEL)

    return pl.pallas_call(
        body,
        grid=(n_blocks,),
        in_specs=[
            pl.BlockSpec((block_rows,), lambda i: (i,)),
            pl.BlockSpec((_NSAMP,), lambda i: (0,)),
        ],
        out_specs=pl.BlockSpec((block_rows, _NSAMP), lambda i: (i, 0)),
        out_shape=jax.ShapeDtypeStruct((n, _NSAMP), jnp.int32),
    )(matches, offsets)


def kernel(num_samples, matches_b, negative_offsets):
    del num_samples
    num_off = negative_offsets.shape[0]

    key = jax.random.fold_in(jax.random.key(0), 1)
    indices = jax.random.randint(key, (_NSAMP,), 0, num_off, dtype=jnp.int32)
    indices = indices.reshape(2, _NSAMP // 2)

    offsets = _sc_gather_offsets(negative_offsets, indices)
    return _tc_dense(matches_b, offsets)

# --- scband reference (transcript-rebuilt; emitter-appended) ---
"""Pipeline reference for scband-ring-sampler-64226940944467 (READ-ONLY COPY).

The authoritative reference and input builder live on the scoring server;
editing this copy changes nothing except your own understanding.
"""

import jax, jax.numpy as jnp
import numpy as np

IMAGE_WIDTH = 640
IMAGE_HEIGHT = 480
INNER_RADIUS = 10
OUTTER_RADIUS = 12
NUM_SAMPLES = 256


def _make_negative_offsets(inner_radius=INNER_RADIUS, outter_radius=OUTTER_RADIUS, image_width=IMAGE_WIDTH):
    # Faithful port of RingSampler.sample_offsets (note: uses the default image_width=640,
    # exactly as the torch code does since sample_offsets() is called without args).
    inner_r2 = inner_radius ** 2
    outer_r2 = outter_radius ** 2
    neg = []
    for j in range(-outter_radius - 1, outter_radius + 1):
        for i in range(-outter_radius - 1, outter_radius + 1):
            d2 = i * i + j * j
            if inner_r2 <= d2 <= outer_r2:
                neg.append(i * image_width + j)
    return jnp.asarray(np.array(neg, dtype=np.int32))


def setup_inputs(seed: int = 0) -> dict:
    key = jax.random.key(seed)
    k_matches = jax.random.fold_in(key, 0)
    matches_b = jax.random.randint(k_matches, (50000,), 0, IMAGE_WIDTH * IMAGE_HEIGHT, dtype=jnp.int32)
    negative_offsets = _make_negative_offsets()
    return {
        "num_samples": NUM_SAMPLES,
        "matches_b": matches_b,
        "negative_offsets": negative_offsets,
    }


def reference(num_samples, matches_b, negative_offsets):
    # get_offsets: uniform random indices into the ring-offset table, then gather
    key = jax.random.fold_in(jax.random.key(0), 1)
    num_offsets = negative_offsets.shape[0]
    indices = jax.random.randint(key, (NUM_SAMPLES,), 0, num_offsets, dtype=jnp.int32)
    indices = indices + jnp.asarray(num_samples, dtype=jnp.int32) * jnp.int32(0)
    offsets = jnp.take(negative_offsets, indices, axis=0)
    # get_samples: broadcast-add offsets to each true-match pixel index, clamp to image
    offsetted_points = matches_b[:, None] + offsets[None, :]
    max_pixel_index = IMAGE_WIDTH * IMAGE_HEIGHT - 1
    return jnp.clip(offsetted_points, 0, max_pixel_index)

if __name__ == "__main__":
    import jax
    _d = setup_inputs()
    print(jax.jit(kernel)(*tuple(_d.values())))

</pallas_src>

<mosaic_0001>
#map = affine_map<(d0, d1) -> (0)>
#map1 = affine_map<(d0, d1) -> (0, 0)>
module attributes {stable_mosaic.version = 14 : i64} {
  func.func @k(%arg0: i32, %arg1: i32, %arg2: memref<136xi32, #tpu.memory_space<hbm>>, %arg3: memref<2x128xi32, #tpu.memory_space<hbm>>, %arg4: memref<256xi32, #tpu.memory_space<hbm>>, %arg5: memref<2x128xi32, #tpu.memory_space<vmem>>, %arg6: memref<256xi32, #tpu.memory_space<vmem>>, %arg7: memref<!tpu.dma_semaphore, #tpu.memory_space<semaphore_mem>>) attributes {dimension_semantics = [#tpu.dimension_semantics<core_parallel>, #tpu.dimension_semantics<subcore_parallel>], iteration_bounds = array<i64: 2, 16>, scalar_prefetch = 0 : i64, scratch_operands = 3 : i64, tpu.core_type = #tpu.core_type<sc_vector_subcore>, window_params = [{transform_indices = #map}, {transform_indices = #map1}, {transform_indices = #map}]} {
    %mul3A = arith.constant 2 : i32
    %mul3A_0 = arith.muli %arg1, %mul3A : i32
    %add3A = arith.addi %mul3A_0, %arg0 : i32
    %eq3A = arith.constant 0 : i32
    %eq3A_1 = arith.cmpi eq, %add3A, %eq3A : i32
    %convert_element_type3A = arith.extui %eq3A_1 : i1 to i32
    %cond3A = arith.constant 0 : i32
    %cond3A_2 = arith.cmpi ne, %convert_element_type3A, %cond3A : i32
    scf.if %cond3A_2 {
      tpu.enqueue_dma source(%arg3 : memref<2x128xi32, #tpu.memory_space<hbm>>) target(%arg5 : memref<2x128xi32, #tpu.memory_space<vmem>>) target_semaphore(%arg7 : memref<!tpu.dma_semaphore, #tpu.memory_space<semaphore_mem>>)
      tpu.wait_dma2 semaphore(%arg7 : memref<!tpu.dma_semaphore, #tpu.memory_space<semaphore_mem>>) src(%arg3 : memref<2x128xi32, #tpu.memory_space<hbm>>) dst(%arg5 : memref<2x128xi32, #tpu.memory_space<vmem>>)
      %dma_start3A = arith.constant 0 : i32
      %dma_start3A_3 = arith.constant 0 : i32
      %dma_start3A_4 = tpu.memref_slice %arg6[%dma_start3A_3] : memref<256xi32, #tpu.memory_space<vmem>> -> memref<128xi32, #tpu.memory_space<vmem>>
      %dma_start3A_5 = arith.constant 0 : i32
      %dma_start3A_6 = tpu.memref_slice %arg5[%dma_start3A, %dma_start3A_5] : memref<2x128xi32, #tpu.memory_space<vmem>> -> memref<1x128xi32, #tpu.memory_space<vmem>>
      %dma_start3A_7 = tpu.memref_squeeze %dma_start3A_6 : memref<1x128xi32, #tpu.memory_space<vmem>> -> memref<128xi32, #tpu.memory_space<vmem>>
      %dma_start3A_8 = arith.constant 0 : i32
      %dma_start3A_9 = tpu.memref_slice %arg2[%dma_start3A_8] : memref<136xi32, #tpu.memory_space<hbm>> -> memref<136xi32, #tpu.memory_space<hbm>>
      tpu.enqueue_indirect_dma source(%dma_start3A_9 : memref<136xi32, #tpu.memory_space<hbm>>) target(%dma_start3A_4 : memref<128xi32, #tpu.memory_space<vmem>>) offsets(%dma_start3A_7 : memref<128xi32, #tpu.memory_space<vmem>>) semaphore(%arg7 : memref<!tpu.dma_semaphore, #tpu.memory_space<semaphore_mem>>)
      %dma_wait3A = arith.constant 0 : i32
      %dma_wait3A_10 = arith.constant 0 : i32
      %dma_wait3A_11 = tpu.memref_slice %arg6[%dma_wait3A_10] : memref<256xi32, #tpu.memory_space<vmem>> -> memref<128xi32, #tpu.memory_space<vmem>>
      %dma_wait3A_12 = arith.constant 0 : i32
      %dma_wait3A_13 = tpu.memref_slice %arg5[%dma_wait3A, %dma_wait3A_12] : memref<2x128xi32, #tpu.memory_space<vmem>> -> memref<1x128xi32, #tpu.memory_space<vmem>>
      %dma_wait3A_14 = tpu.memref_squeeze %dma_wait3A_13 : memref<1x128xi32, #tpu.memory_space<vmem>> -> memref<128xi32, #tpu.memory_space<vmem>>
      %dma_wait3A_15 = arith.constant 0 : i32
      %dma_wait3A_16 = tpu.memref_slice %arg2[%dma_wait3A_15] : memref<136xi32, #tpu.memory_space<hbm>> -> memref<136xi32, #tpu.memory_space<hbm>>
      tpu.wait_indirect_dma semaphore(%arg7 : memref<!tpu.dma_semaphore, #tpu.memory_space<semaphore_mem>>) src(%dma_wait3A_16 : memref<136xi32, #tpu.memory_space<hbm>>) dst(%dma_wait3A_11 : memref<128xi32, #tpu.memory_space<vmem>>)
      %dma_start3A_17 = arith.constant 1 : i32
      %dma_start3A_18 = arith.constant 128 : i32
      %dma_start3A_19 = tpu.memref_slice %arg6[%dma_start3A_18] : memref<256xi32, #tpu.memory_space<vmem>> -> memref<128xi32, #tpu.memory_space<vmem>>
      %dma_start3A_20 = arith.constant 0 : i32
      %dma_start3A_21 = tpu.memref_slice %arg5[%dma_start3A_17, %dma_start3A_20] : memref<2x128xi32, #tpu.memory_space<vmem>> -> memref<1x128xi32, #tpu.memory_space<vmem>>
      %dma_start3A_22 = tpu.memref_squeeze %dma_start3A_21 : memref<1x128xi32, #tpu.memory_space<vmem>> -> memref<128xi32, #tpu.memory_space<vmem>>
      %dma_start3A_23 = arith.constant 0 : i32
      %dma_start3A_24 = tpu.memref_slice %arg2[%dma_start3A_23] : memref<136xi32, #tpu.memory_space<hbm>> -> memref<136xi32, #tpu.memory_space<hbm>>
      tpu.enqueue_indirect_dma source(%dma_start3A_24 : memref<136xi32, #tpu.memory_space<hbm>>) target(%dma_start3A_19 : memref<128xi32, #tpu.memory_space<vmem>>) offsets(%dma_start3A_22 : memref<128xi32, #tpu.memory_space<vmem>>) semaphore(%arg7 : memref<!tpu.dma_semaphore, #tpu.memory_space<semaphore_mem>>)
      %dma_wait3A_25 = arith.constant 1 : i32
      %dma_wait3A_26 = arith.constant 128 : i32
      %dma_wait3A_27 = tpu.memref_slice %arg6[%dma_wait3A_26] : memref<256xi32, #tpu.memory_space<vmem>> -> memref<128xi32, #tpu.memory_space<vmem>>
      %dma_wait3A_28 = arith.constant 0 : i32
      %dma_wait3A_29 = tpu.memref_slice %arg5[%dma_wait3A_25, %dma_wait3A_28] : memref<2x128xi32, #tpu.memory_space<vmem>> -> memref<1x128xi32, #tpu.memory_space<vmem>>
      %dma_wait3A_30 = tpu.memref_squeeze %dma_wait3A_29 : memref<1x128xi32, #tpu.memory_space<vmem>> -> memref<128xi32, #tpu.memory_space<vmem>>
      %dma_wait3A_31 = arith.constant 0 : i32
      %dma_wait3A_32 = tpu.memref_slice %arg2[%dma_wait3A_31] : memref<136xi32, #tpu.memory_space<hbm>> -> memref<136xi32, #tpu.memory_space<hbm>>
      tpu.wait_indirect_dma semaphore(%arg7 : memref<!tpu.dma_semaphore, #tpu.memory_space<semaphore_mem>>) src(%dma_wait3A_32 : memref<136xi32, #tpu.memory_space<hbm>>) dst(%dma_wait3A_27 : memref<128xi32, #tpu.memory_space<vmem>>)
      tpu.enqueue_dma source(%arg6 : memref<256xi32, #tpu.memory_space<vmem>>) target(%arg4 : memref<256xi32, #tpu.memory_space<hbm>>) target_semaphore(%arg7 : memref<!tpu.dma_semaphore, #tpu.memory_space<semaphore_mem>>)
      tpu.wait_dma2 semaphore(%arg7 : memref<!tpu.dma_semaphore, #tpu.memory_space<semaphore_mem>>) src(%arg6 : memref<256xi32, #tpu.memory_space<vmem>>) dst(%arg4 : memref<256xi32, #tpu.memory_space<hbm>>)
    } else {
    }
    return
  }
}

module attributes {stable_mosaic.version = 14 : i64} {
  func.func @body(%arg0: i32, %arg1: memref<8192xi32, #tpu.memory_space<vmem>>, %arg2: memref<256xi32, #tpu.memory_space<vmem>>, %arg3: memref<8192x256xi32, #tpu.memory_space<vmem>>) attributes {dimension_semantics = [#tpu.dimension_semantics<arbitrary>], iteration_bounds = array<i64: 7>, scalar_prefetch = 0 : i64, scratch_operands = 0 : i64, tpu.core_type = #tpu.core_type<tc>, window_params = [{transform_indices = @transform_0, window_bounds = array<i64: 8192>}, {pipeline_mode = #tpu.pipeline_mode<synchronous>, transform_indices = @transform_1, window_bounds = array<i64: 256>}, {transform_indices = @transform_2, window_bounds = array<i64: 8192, 256>}]} {
    %get3A = arith.constant 0 : index
    %get3A_0 = vector.load %arg1[%get3A] : memref<8192xi32, #tpu.memory_space<vmem>>, vector<8192xi32>
    %get3A_1 = arith.constant 0 : index
    %get3A_2 = vector.load %arg2[%get3A_1] : memref<256xi32, #tpu.memory_space<vmem>>, vector<256xi32>
    %broadcast_in_dim3A = vector.shape_cast %get3A_0 : vector<8192xi32> to vector<8192x1xi32>
    %broadcast_in_dim3A_3 = vector.shape_cast %get3A_2 : vector<256xi32> to vector<1x256xi32>
    %add3A = vector.broadcast %broadcast_in_dim3A : vector<8192x1xi32> to vector<8192x256xi32>
    %add3A_4 = vector.broadcast %broadcast_in_dim3A_3 : vector<1x256xi32> to vector<8192x256xi32>
    %add3A_5 = arith.addi %add3A, %add3A_4 : vector<8192x256xi32>
    %max3A = arith.constant 0 : i32
    %max3A_6 = vector.broadcast %max3A : i32 to vector<8192x256xi32>
    %max3A_7 = arith.maxsi %add3A_5, %max3A_6 : vector<8192x256xi32>
    %min3A = arith.constant 307199 : i32
    %min3A_8 = vector.broadcast %min3A : i32 to vector<8192x256xi32>
    %min3A_9 = arith.minsi %max3A_7, %min3A_8 : vector<8192x256xi32>
    %swap3A = arith.constant 0 : index
    %swap3A_10 = arith.constant 0 : index
    %swap3A_11 = vector.load %arg3[%swap3A, %swap3A_10] : memref<8192x256xi32, #tpu.memory_space<vmem>>, vector<8192x256xi32>
    tpu.vector_store %arg3[%swap3A, %swap3A_10], %min3A_9 {strides = array<i32>} : memref<8192x256xi32, #tpu.memory_space<vmem>>, vector<8192x256xi32>,
    return
  }
  func.func @transform_0(%arg0: i32) -> i32 {
    %c0_i32 = arith.constant 0 : i32
    return %arg0 : i32
  }
  func.func @transform_1(%arg0: i32) -> i32 {
    %c0_i32 = arith.constant 0 : i32
    %c0_i32_0 = arith.constant 0 : i32
    return %c0_i32 : i32
  }
  func.func @transform_2(%arg0: i32) -> (i32, i32) {
    %c0_i32 = arith.constant 0 : i32
    %c0_i32_0 = arith.constant 0 : i32
    return %arg0, %c0_i32 : i32, i32
  }
}

</mosaic_0001>

<sc_bundles>
// kernel: kernel.6.cloned.1.call-start
scs
__scs_entry_jumppad:
0x0: {  	(pc) =	sbr.rel $0x88, $3  }
0x1: {  	(tag) =	ssettag $0x0;
	lr =	simm.s32 $0x1  }
0x2: {  	[smem:$0x3F9F] =	sst lr;
	_ =	strace $0xD0000000  }
0x3: {  	_ = 	snop  }
0x4: {  	_ = 	snop  }
0x5: {  	_ = 	snop  }
0x6: {  	_ = 	snop  }
0x7: {  	_ = 	snop  }
__scs_overlays_trampoline_lowered:
0x8: {  	[smem:$0x3FAE] =	sst s0  }
0x9: {  	[smem:$0x3FAF] =	sst s1  }
0xa: {  	[smem:$0x3FB0] =	sst s2  }
0xb: {  	[smem:$0x3FB1] =	sst s3  }
0xc: {  	[smem:$0x3FB2] =	sst s4  }
0xd: {  	[smem:$0x3FB3] =	sst s5  }
0xe: {  	[smem:$0x3FB4] =	sst s6  }
0xf: {  	[smem:$0x3FB5] =	sst s7  }
0x10: {  	[smem:$0x3FB6] =	sst s8  }
0x11: {  	[smem:$0x3FB7] =	sst s9;
	s0 =	simm.s32 @!p0 $0x0  }
0x12: {  	s1 =	sld [smem:$0x3F9D];
	s0 =	simm.s32 @p0 $0x1  }
0x13: {  	[smem:$0x3FB8] =	sst s0;
	s0 =	simm.s32 @!p1 $0x0  }
0x14: {  	s2 =	sld [smem:$0x3F9C];
	s0 =	simm.s32 @p1 $0x1  }
0x15: {  	[smem:$0x3FB9] =	sst s0;
	s0 =	simm.s32 @!p2 $0x0  }
0x16: {  	s3 =	sld [smem:$0x3FDB];
	s0 =	simm.s32 @p2 $0x1  }
0x17: {  	s4 =	simm.s32 $0x1BF5;
	[smem:$0x3FBB] =	sst s0  }
0x18: {  	s0 =	sld [smem:$0x3F9E];
	_ =	swait.ge [sflag:s4], $0x0  }
0x19: {  	s7 =	sld [smem:$0x3F9F]  }
0x1a: {  	s8 =	sadd.s32 $0xFFFFE003, lr  }
0x1b: {  	s9 =	sadd.s32 $0xFFFFFEF7, lr;
	s5 =	simm.s32 $0xFFFFFFFF;
	p2 =	slt.u32 s8, $0xFFFFF086  }
0x1c: {  	p1 =	slt.u32 s9, $0xF7A;
	s5 =	simm.s32 @!p2 $0x0  }
0x1d: {  	s5 =	simm.s32 @p1 $0x1;
	p0 =	seq.s32 s7, s2  }
0x1e: {  	s7 =	smul.u32 @!p0 $0xF7A, s2;
	p2 =	seq.s32 @!p0 s5, $0x0  }
0x1f: {  	s9 =	smul.u32 $0xF7A, s1;
	s8 =	simm.s32 @!p0 $0x1BF5;
	p2 =	por !p2, p0  }
0x20: {  	[sflag:s8] =	ssyncset.s32 @!p0 $0xFFFFF086;
	s6 =	sadd.s32 @!p0 s3, s7;
	s7 =	simm.s32 @!p0 $0x108  }
0x21: {  	s3 =	sadd.s32 s3, s9;
	s6 =	sadd.s32 @!p0 $0x88, s6;
	s7 =	simm.s32 @p2 $0x1082  }
0x22: {  	[simem:s7], [sflag:s8] =	dma.local @!p0 [hbm:s6], $0xF7A  }
0x23: {  	s9 =	sor.u32 $0xD0000000, s2;
	s6 =	simm.s32 $0x108;
	_ =	swait.ge @!p0 [sflag:s8], $0x0  }
0x24: {  	s3 =	sadd.s32 $0x88, s3;
	s6 =	simm.s32 @!p1 $0x1082;
	[sflag:s4] =	ssyncset.s32 $0xFFFFF086  }
0x25: {  	[simem:s6], [sflag:s4] =	dma.local [hbm:s3], $0xF7A  }
0x26: {  	[smem:$0x3F9F] =	sst s1;
	(tag) =	ssettag s2;
	_ =	strace s9  }
0x27: {  	s1 =	sld [smem:$0x3FAF]  }
0x28: {  	s2 =	sld [smem:$0x3FB0]  }
0x29: {  	s4 =	sld [smem:$0x3FB2]  }
0x2a: {  	p0 =	seq.s32 s5, $0x0;
	s5 =	sld [smem:$0x3FB3]  }
0x2b: {  	s6 =	sld [smem:$0x3FB4]  }
0x2c: {  	s7 =	sld [smem:$0x3FB5]  }
0x2d: {  	s3 =	simm.s32 $0x108;
	s8 =	sld [smem:$0x3FB6]  }
0x2e: {  	s3 =	simm.s32 @!p0 $0x1082;
	s9 =	sld [smem:$0x3FB7]  }
0x2f: {  	lr =	sadd.s32 s0, s3;
	s0 =	sld [smem:$0x3FAE]  }
0x30: {  	s3 =	sld [smem:$0x3FB1]  }
0x31: {  	[smem:$0x3FBA] =	sst s10  }
0x32: {  	s10 =	sld [smem:$0x3FB8];
	_ =	sdelay $0x3  }
0x33: {  	p0 =	seq.s32 s10, $0x1;
	s10 =	sld [smem:$0x3FBA];
	_ =	sdelay $0x3  }
0x34: {  	[smem:$0x3FBA] =	sst s10  }
0x35: {  	s10 =	sld [smem:$0x3FB9];
	_ =	sdelay $0x3  }
0x36: {  	p1 =	seq.s32 s10, $0x1;
	s10 =	sld [smem:$0x3FBA];
	_ =	sdelay $0x3  }
0x37: {  	[smem:$0x3FBA] =	sst s10  }
0x38: {  	s10 =	sld [smem:$0x3FBB]  }
0x39: {  	_ = 	snop;
	(pc) =	sbr.ind lr, $3  }
0x3a: {  	_ = 	snop  }
0x3b: {  	_ = 	snop  }
0x3c: {  	p2 =	seq.s32 s10, $0x1;
	s10 =	sld [smem:$0x3FBA]  }
0x3d: {  	_ =	shalt  }
0x3e: {  	_ =	shalt  }
0x3f: {  	_ =	shalt  }
0x40: {  	_ =	shalt  }
0x41: {  	_ =	shalt  }
0x42: {  	_ =	shalt  }
0x43: {  	_ =	shalt  }
0x44: {  	_ =	shalt  }
0x45: {  	_ =	shalt  }
0x46: {  	_ =	shalt  }
0x47: {  	_ =	shalt  }
0x48: {  	_ =	shalt  }
0x49: {  	_ =	shalt  }
0x4a: {  	_ =	shalt  }
0x4b: {  	_ =	shalt  }
0x4c: {  	_ =	shalt  }
0x4d: {  	_ =	shalt  }
0x4e: {  	_ =	shalt  }
0x4f: {  	_ =	shalt  }
0x50: {  	_ =	shalt  }
0x51: {  	_ =	shalt  }
0x52: {  	_ =	shalt  }
0x53: {  	_ =	shalt  }
0x54: {  	_ =	shalt  }
0x55: {  	_ =	shalt  }
0x56: {  	_ =	shalt  }
0x57: {  	_ =	shalt  }
0x58: {  	_ =	shalt  }
0x59: {  	_ =	shalt  }
0x5a: {  	_ =	shalt  }
0x5b: {  	_ =	shalt  }
0x5c: {  	_ =	shalt  }
0x5d: {  	_ =	shalt  }
0x5e: {  	_ =	shalt  }
0x5f: {  	_ =	shalt  }
0x60: {  	_ =	shalt  }
0x61: {  	_ =	shalt  }
0x62: {  	_ =	shalt  }
0x63: {  	_ =	shalt  }
0x64: {  	_ =	shalt  }
0x65: {  	_ =	shalt  }
0x66: {  	_ =	shalt  }
0x67: {  	_ =	shalt  }
0x68: {  	_ =	shalt  }
0x69: {  	_ =	shalt  }
0x6a: {  	_ =	shalt  }
0x6b: {  	_ =	shalt  }
0x6c: {  	_ =	shalt  }
0x6d: {  	_ =	shalt  }
0x6e: {  	_ =	shalt  }
0x6f: {  	_ =	shalt  }
0x70: {  	_ =	shalt  }
0x71: {  	_ =	shalt  }
0x72: {  	_ =	shalt  }
0x73: {  	_ =	shalt  }
0x74: {  	_ =	shalt  }
0x75: {  	_ =	shalt  }
0x76: {  	_ =	shalt  }
0x77: {  	_ =	shalt  }
0x78: {  	_ =	shalt  }
0x79: {  	_ =	shalt  }
0x7a: {  	_ =	shalt  }
0x7b: {  	_ =	shalt  }
0x7c: {  	_ =	shalt  }
0x7d: {  	_ =	shalt  }
0x7e: {  	_ =	shalt  }
0x7f: {  	_ =	shalt  }
0x80: {  	_ =	shalt  }
0x81: {  	_ =	shalt  }
0x82: {  	_ =	shalt  }
0x83: {  	_ =	shalt  }
0x84: {  	_ =	shalt  }
0x85: {  	_ =	shalt  }
0x86: {  	_ =	shalt  }
0x87: {  	_ =	shalt  }
.Lfunc_end0:
.L_simem_size_0:
called_computation_lowered:
.L_overlay_start_0:
0x88: {  	s2 =	sld [smem:$0x3FD9]  }
0x89: {  	s3 =	sld [smem:$0x3FFE];
	_ =	sdelay $0x1  }
0x8a: {  	s1 =	srdreg.scid  }
0x8b: {  	s0 =	sand.u32 $0x1, s1  }
0x8c: {  	s17 =	sshll.u32 s0, $0xA;
	s2 =	sadd.s32 s3, s2  }
0x8d: {  	s2 =	sadd.s32 s2, s17  }
0x8e: {  	[smem:$0x3FC6] =	sst s2  }
0x8f: {  	_ = 	snop  }
0x90: {  	s2 =	sld [smem:$0x3FC8]  }
0x91: {  	s18 =	sld [smem:$0x3FD0];
	(tm) =	ssettm $0x1  }
0x92: {  	s4 =	sld [smem:$0x3FFB];
	_ =	sdelay $0x3  }
0x93: {  	_ =	strace s4  }
0x94: {  	s4 =	sld [smem:$0x3FFC];
	_ =	sdelay $0x3  }
0x95: {  	_ =	strace s4  }
0x96: {  	s4 =	sld [smem:$0x3FFD];
	_ =	sdelay $0x3  }
0x97: {  	_ =	strace s4  }
0x98: {  	_ =	strace $0x8FFFFFFF  }
0x99: {  	s19 =	sld [smem:$0x3FDB];
	_ =	sdelay $0x1  }
0x9a: {  	s5 =	simm.s32 $_scs_section_size  }
0x9b: {  	s6 =	simm.s32 $_size__tile_overlayer_lowered;
	s7 =	simm.s32 $_tile_overlayer_lowered  }
0x9c: {  	s22 =	simm.s32 $0x1BFF;
	s21 =	sshll.u32 s7, $0x1;
	s4 =	sadd.s32 s5, s19  }
0x9d: {  	s8 =	simm.s32 $0x0;
	s20 =	sshll.u32 s6, $0x1;
	s6 =	sadd.s32 s21, s4  }
0x9e: {  	[timem:s8], [sflag:s22] =	dma.local [hbm:s6], s20  }
0x9f: {  	_ =	swait.ge [sflag:s22], s20  }
0xa0: {  	s5 =	ssub.s32 $0x0, s20;
	[sflag:s22] =	ssyncset.done $0x0  }
0xa1: {  	[sflag:s22] =	ssyncadd.s32 s5;
	_ =	sdelay $0x1  }
0xa2: {  	s23 =	simm.s32 $0x1B8B  }
0xa3: {  	_ =	swait.ge [sflag:s23], $0x1  }
0xa4: {  	[sflag:s23] =	ssyncset.done $0x0  }
0xa5: {  	s25 =	simm.s32 $0x1B8E;
	s24 =	sld [smem:$0x3FFE];
	[sflag:s23] =	ssyncadd.s32 $0xFFFFFFFF  }
0xa6: {  	s26 =	simm.s32 $execute0_lowered;
	[smem:$0x3FD2] =	sst s25  }
0xa7: {  	s6 =	sshll.u32 s26, $0x1;
	_ =	strace $0x80000046;
	[dreg:$0x1] =	wrdreg $0xFFFFFFFF  }
0xa8: {  	s28 =	simm.s32 $_size_execute0_lowered;
	s4 =	sadd.s32 s4, s6;
	[dreg:$0x0] =	wrdreg $0x0  }
0xa9: {  	s6 =	sshll.u32 s28, $0x1;
	[dreg:$0x2] =	wrdreg s4  }
0xaa: {  	[dreg:$0x3] =	wrdreg s6  }
0xab: {  	[dreg:$0x4] =	wrdreg $0xC0  }
0xac: {  	_ =	task [dreg:s8], $0x5FFFF  }
0xad: {  	[dreg:$0x1] =	wrdreg $0xFFFFFFFF  }
0xae: {  	[dreg:$0x0] =	wrdreg $0x60  }
0xaf: {  	[dreg:$0x2] =	wrdreg s2  }
0xb0: {  	[dreg:$0x3] =	wrdreg s18  }
0xb1: {  	[dreg:$0x4] =	wrdreg s24  }
0xb2: {  	[dreg:$0x5] =	wrdreg $0x9  }
0xb3: {  	_ =	task.clear_ibuf [dreg:s8], $0x6FFFF;
	_ =	strace $0x90000046  }
0xb4: {  	s29 =	simm.s32 $0x9;
	_ =	strace $0x80000048  }
0xb5: {  	_ =	swait.ge [sflag:s29], $0x1  }
0xb6: {  	[sflag:s29] =	ssyncadd.s32 $0xFFFFFFFF  }
0xb7: {  	_ =	strace $0x90000048  }
0xb8: {  	_ =	sfence  }
0xb9: {  	s30 =	sld [smem:$0x0];
	_ =	sdelay $0x2  }
0xba: {  	s31 =	sshll.u32 s1, $0xD;
	s1 =	sshrl.u32 s1, $0x2  }
0xbb: {  	s3 =	sand.u32 $0x4000, s31;
	s1 =	sadd.s32 s1, s30  }
0xbc: {  	s0 =	sor.u32 s3, s0;
	s1 =	sshll.u32 s1, $0x11  }
0xbd: {  	s0 =	sor.u32 s1, s0  }
0xbe: {  	s0 =	sadd.s32 $0x8F2B, s0  }
0xbf: {  	[sflag:s0] =	ssyncadd.remote.s32 $0x1  }
0xc0: {  	_ =	sfence.sel $0xFFFF  }
0xc1: {  	[dreg:$0x0] =	wrdreg $0xFFFFFFFF;
	(pc) =	sbr.abs _section_cstart, $3  }
0xc2: {  	[dreg:$0x1] =	wrdreg $0xFFFFFFFF  }
0xc3: {  	_ =	task.clear_ibuf [dreg:s8], $0x2FFFF;
	_ =	strace $0x9FFFFFFF  }
0xc4: {  	(tm) =	ssettm $0x7FFFFFFF  }
0xc5: {  	_ =	shalt  }
tec
execute0_lowered:
.L_overlay_start_1:
0x0: {  	(tag) =	ssettag $0x1  }
0x1: {  	s0 =	srdreg.scid  }
0x2: {  	s8 =	sand.u32 $0x1, s0;
	s0 =	stileid.u32  }
0x3: {  	s4 =	sshll.u32 s0, $0x1;
	s5 =	ssub.s32 $0x0, s8  }
0x4: {  	p0 =	sne.s32 s4, s5  }
.Ltmp0:
0x5: {  	_ = 	snop;
	(pc) =	sbr.rel @p0 .LBB2_4-.Ltmp0, $4  }
0x6: {  	s2 =	rddreg [dreg:$0x0]  }
0x7: {  	s3 =	rddreg [dreg:$0x1]  }
0x8: {  	s9 =	rddreg [dreg:$0x2]  }
0x9: {  	s1 =	rddreg [dreg:$0x3];
	_ =	strace $0x80000047  }
0xa: {  	s5 =	simm.s32 $0x0;
	s4 =	simm.s32 $0x1  }
0xb: {  	[tilespmem:s5], [sflag:$0x1] =	stream.linear.gather [hbm4b:s3+s5], $0x100, $0x38;
	[tilespmem:$0x200] =	vst v63  }
0xc: {  	_ =	swait.ge [sflag:s4], $0x100  }
0xd: {  	s6 =	simm.s32 $0x80;
	[sflag:s4] =	ssyncset.done $0x0  }
0xe: {  	s7 =	simm.s32 $0x100;
	s10 =	ssub.s32 $0x2, s8;
	[sflag:s4] =	ssyncadd.s32 $0xFFFFFF00  }
0xf: {  	[tilespmem:s7], [sflag:$0x1] =	stream.indirect.gather [hbm4b:s2+s6], $0x1, s5, s6, $0xb8;
	[tilespmem:$0x200] =	vst v63  }
0x10: {  	s11 =	sshrl.u32 s10, $0x1;
	_ =	swait.ge [sflag:s4], $0x80  }
0x11: {  	s10 =	ssub.s32 s10, s11;
	[sflag:s4] =	ssyncset.done $0x0  }
0x12: {  	s8 =	simm.s32 $0x180;
	s10 =	smax.u32 s10, $0x1;
	[sflag:s4] =	ssyncadd.s32 $0xFFFFFF80  }
0x13: {  	[tilespmem:s8], [sflag:$0x1] =	stream.indirect.gather [hbm4b:s2+s6], $0x1, s6, s6, $0xb8;
	[tilespmem:$0x200] =	vst v63  }
0x14: {  	p0 =	sne.s32 s10, $0x1;
	_ =	swait.ge [sflag:s4], $0x80  }
.Ltmp1:
0x15: {  	[sflag:s4] =	ssyncset.done $0x0;
	(pc) =	sbr.rel @!p0 .LBB2_3-.Ltmp1, $4  }
0x16: {  	s9 =	sadd.s32 $0xC00, s9;
	[sflag:s4] =	ssyncadd.s32 $0xFFFFFF80  }
0x17: {  	[hbm4b:s9+s5] =	stream.linear.scatter [tilespmem:s7], [sflag:$0x1], $0x100, $0x38;
	[tilespmem:$0x200] =	vst v63  }
0x18: {  	_ =	swait.ge [sflag:s4], $0x100  }
0x19: {  	s10 =	sadd.s32 $0xFFFFFFFF, s10;
	[sflag:s4] =	ssyncset.done $0x0  }
.LBB2_2:
0x1a: {  	p0 =	sne.s32 s10, $0x1;
	s10 =	sadd.s32 $0xFFFFFFFF, s10;
	[sflag:s4] =	ssyncadd.s32 $0xFFFFFF00  }
0x1b: {  	[tilespmem:s5], [sflag:$0x1] =	stream.linear.gather [hbm4b:s3+s5], $0x100, $0x38;
	[tilespmem:$0x200] =	vst v63  }
0x1c: {  	_ =	swait.ge [sflag:s4], $0x100  }
0x1d: {  	[sflag:s4] =	ssyncset.done $0x0  }
0x1e: {  	[sflag:s4] =	ssyncadd.s32 $0xFFFFFF00  }
0x1f: {  	[tilespmem:s7], [sflag:$0x1] =	stream.indirect.gather [hbm4b:s2+s6], $0x1, s5, s6, $0xb8;
	[tilespmem:$0x200] =	vst v63  }
0x20: {  	_ =	swait.ge [sflag:s4], $0x80  }
0x21: {  	[sflag:s4] =	ssyncset.done $0x0  }
0x22: {  	[sflag:s4] =	ssyncadd.s32 $0xFFFFFF80  }
0x23: {  	[tilespmem:s8], [sflag:$0x1] =	stream.indirect.gather [hbm4b:s2+s6], $0x1, s6, s6, $0xb8;
	[tilespmem:$0x200] =	vst v63  }
0x24: {  	_ =	swait.ge [sflag:s4], $0x80  }
.Ltmp2:
0x25: {  	[sflag:s4] =	ssyncset.done $0x0;
	(pc) =	sbr.rel @p0 .LBB2_2-.Ltmp2, $4  }
0x26: {  	[sflag:s4] =	ssyncadd.s32 $0xFFFFFF80  }
0x27: {  	[hbm4b:s9+s5] =	stream.linear.scatter [tilespmem:s7], [sflag:$0x1], $0x100, $0x38;
	[tilespmem:$0x200] =	vst v63  }
0x28: {  	_ =	swait.ge [sflag:s4], $0x100  }
0x29: {  	[sflag:s4] =	ssyncset.done $0x0  }
.LBB2_3:
0x2a: {  	[sflag:s4] =	ssyncadd.s32 $0xFFFFFF00  }
.LBB2_4:
0x2b: {  	_ =	sfence.sel $0x180000  }
0x2c: {  	[bflag:$0x0] =	sbarrier.arrive $0xFFFF  }
0x2d: {  	p0 =	sne.s32 s0, $0x0;
	_ =	strace $0x90000047  }
0x2e: {  	s0 =	sadd.s32 @!p0 $0x100000, s1;
	[bflag:$0x2] =	sbarrier.arrive $0xFFFF  }
0x2f: {  	[sflag:s0] =	ssyncadd.tile.s32 @!p0 $0x1;
	_ =	shalt  }
.Lfunc_end2:
_tile_overlayer_lowered:
.L_overlay_start_2:
0x30: {  	(tag) =	ssettag $0x2  }
0x31: {  	s0 =	rddreg [dreg:$0x0];
	s2 =	stileid.u32  }
0x32: {  	s1 =	rddreg [dreg:$0x1];
	p0 =	sne.s32 s2, $0x0  }
0x33: {  	s3 =	rddreg [dreg:$0x2];
	[bflag:$0x3] =	sbarrier.arrive $0xFFFF;
	s2 =	simm.s32 @!p0 $0x1C02  }
0x34: {  	[timem:s3], [sflag:s2] =	dma.local @!p0 [hbm:s0], s1  }
0x35: {  	s0 =	simm.s32 @!p0 $0x2  }
0x36: {  	_ =	swait.ge @!p0 [sflag:s0], s1  }
0x37: {  	s1 =	ssub.s32 @!p0 $0x0, s1;
	[sflag:s0] =	ssyncset.done @!p0 $0x0  }
0x38: {  	[sflag:s0] =	ssyncadd.s32 @!p0 s1  }
0x39: {  	[bflag:$0x3] =	sbarrier.arrive $0xFFFF  }
0x3a: {  	_ =	shalt  }

</sc_bundles>
